<compile_context>
chip_gen: v7x
topology: tpu7x:2x2x1
jax: 0.10.2.dev20260603
libtpu: 0.0.44.dev20260713+nightly
codegen_flags: <defaults>
</compile_context>

<pallas_src>
import functools
import math

import jax
import jax.numpy as jnp
from jax import lax
from jax.experimental import pallas as pl
from jax.experimental.pallas import tpu as pltpu
from jax.experimental.pallas import tpu_sc as plsc


def _sc_compact_rows(kt, vt, dest):
    s_len, row = kt.shape
    info = plsc.get_sparse_core_info()
    nw = info.num_cores * info.num_subcores
    b_per_w = s_len // nw

    mesh = plsc.VectorSubcoreMesh(core_axis_name="c", subcore_axis_name="s")

    @functools.partial(
        pl.kernel,
        mesh=mesh,
        out_type=[
            jax.ShapeDtypeStruct((s_len, row), jnp.float32),
            jax.ShapeDtypeStruct((s_len, row), jnp.float32),
        ],
        scratch_types=[
            pltpu.VMEM((b_per_w,), jnp.int32),
            pltpu.VMEM((b_per_w, row), jnp.float32),
            pltpu.VMEM((b_per_w, row), jnp.float32),
            pltpu.SemaphoreType.DMA,
            pltpu.SemaphoreType.DMA,
            pltpu.SemaphoreType.DMA,
        ],
    )
    def scatter_kernel(kt_hbm, vt_hbm, dest_hbm, gk_hbm, gv_hbm,
                       idx_v, krows, vrows, ksem, vsem, osem):
        wid = lax.axis_index("s") * info.num_cores + lax.axis_index("c")
        base = wid * b_per_w
        ck = pltpu.async_copy(kt_hbm.at[pl.ds(base, b_per_w)], krows, ksem)
        cv = pltpu.async_copy(vt_hbm.at[pl.ds(base, b_per_w)], vrows, vsem)
        pltpu.sync_copy(dest_hbm.at[pl.ds(base, b_per_w)], idx_v)
        ck.wait()
        ok = pltpu.async_copy(krows, gk_hbm.at[idx_v], osem)
        cv.wait()
        ov = pltpu.async_copy(vrows, gv_hbm.at[idx_v], osem)
        ok.wait()
        ov.wait()

    return scatter_kernel(kt, vt, dest)


def _attn_body(q_ref, gk_ref, gv_ref, vc_ref, rm_ref,
               probs_ref, ctx_ref, *, inv_scale):
    qb = (q_ref[0] * inv_scale).astype(jnp.bfloat16)
    vc = vc_ref[...]
    rm = rm_ref[...]

    s = lax.dot_general(qb, gk_ref[0], (((1,), (1,)), ((), ())),
                        preferred_element_type=jnp.float32)
    e_all = jnp.exp(s)
    e_m = e_all * vc
    den_all = jnp.sum(e_all, axis=1, keepdims=True)
    den_g = jnp.sum(e_m, axis=1, keepdims=True)

    probs_ref[0] = e_m * (1.0 / den_g)

    den = jnp.where(rm > 0.0, den_all, den_g)
    p = jnp.where(rm > 0.0, e_all, e_m) * (1.0 / den)
    ctx_ref[0] = lax.dot_general(p.astype(jnp.bfloat16), gv_ref[0],
                                 (((1,), (0,)), ((), ())),
                                 preferred_element_type=jnp.float32)


def kernel(q, k, v, numeric_embedding_manager, attention_mask):
    B, H, S, D = q.shape
    BH = B * H
    q2 = q.reshape(BH, S, D)

    isg = attention_mask[0] > 0
    n_glob = isg.sum().astype(jnp.int32)
    c = jnp.cumsum(isg.astype(jnp.int32))
    pos = jnp.arange(S, dtype=jnp.int32)
    dest = jnp.where(isg, c - 1, n_glob + pos - c).astype(jnp.int32)

    kt = k.reshape(BH, S, D).transpose(1, 0, 2)
    vt = v.reshape(BH, S, D).transpose(1, 0, 2)
    gk_t, gv_t = _sc_compact_rows(kt.reshape(S, BH * D),
                                  vt.reshape(S, BH * D), dest)
    gk = gk_t.reshape(S, BH, D).transpose(1, 0, 2).astype(jnp.bfloat16)
    gv = gv_t.reshape(S, BH, D).transpose(1, 0, 2).astype(jnp.bfloat16)

    valid = (pos[None, :] < n_glob).astype(jnp.float32)
    rmask = isg.astype(jnp.float32)[:, None]

    bq = 256
    grid = (BH, S // bq)
    row_block = pl.BlockSpec((1, bq, D), lambda h, i: (h, i, 0))
    full_block = pl.BlockSpec((1, S, D), lambda h, i: (h, 0, 0))
    col_block = pl.BlockSpec((1, S), lambda h, i: (0, 0))
    probs_spec = pl.BlockSpec((1, bq, S), lambda h, i: (h, i, 0))
    rm_spec = pl.BlockSpec((bq, 1), lambda h, i: (i, 0))

    probs, ctx = pl.pallas_call(
        functools.partial(_attn_body, inv_scale=1.0 / math.sqrt(D)),
        grid=grid,
        in_specs=[row_block, full_block, full_block,
                  col_block, rm_spec],
        out_specs=[probs_spec, row_block],
        out_shape=[
            jax.ShapeDtypeStruct((BH, S, S), jnp.float32),
            jax.ShapeDtypeStruct((BH, S, D), jnp.float32),
        ],
        compiler_params=pltpu.CompilerParams(
            dimension_semantics=("arbitrary", "arbitrary"),
        ),
    )(q2, gk, gv, valid, rmask)

    return ctx.reshape(B, H, S, D), probs.reshape(B, H, S, S)

# --- scband reference (transcript-rebuilt; emitter-appended) ---
"""Pipeline reference for scband-longformer-attention-method-44822278701217 (READ-ONLY COPY).

The authoritative reference and input builder live on the scoring server;
editing this copy changes nothing except your own understanding.
"""

import jax, jax.numpy as jnp
import numpy as np

B, H, S, D = 1, 12, 2048, 64


def setup_inputs(seed: int = 0) -> dict:
    key = jax.random.key(seed)
    kq, kk, kv, km = jax.random.split(key, 4)
    q = jax.random.normal(kq, (B, H, S, D), dtype=jnp.float32)
    k = jax.random.normal(kk, (B, H, S, D), dtype=jnp.float32)
    v = jax.random.normal(kv, (B, H, S, D), dtype=jnp.float32)
    attention_mask = jax.random.randint(km, (B, S), 0, 2)
    return {"q": q, "k": k, "v": v, "numeric_embedding_manager": 0, "attention_mask": attention_mask}


def _forward(q, k, v, attention_mask):
    B_, H_, S_, D_ = q.shape
    BH = B_ * H_
    q2 = q.reshape(BH, S_, D_)
    k2 = k.reshape(BH, S_, D_)
    v2 = v.reshape(BH, S_, D_)
    is_global = attention_mask > 0
    is_global = jnp.broadcast_to(is_global[:, None, :], (B_, H_, S_)).reshape(BH, S_)
    # compact global key/value rows to the front (in index order); jax argsort is stable
    order = jnp.argsort(jnp.logical_not(is_global).astype(jnp.int32), axis=1)
    n_glob = is_global.sum(axis=1)
    pos = jnp.arange(S_)
    valid = pos[None, :] < n_glob[:, None]
    gk = jnp.take_along_axis(k2, order[:, :, None], axis=1)
    gk = jnp.where(valid[:, :, None], gk, 0.0)
    gv = jnp.take_along_axis(v2, order[:, :, None], axis=1)
    gv = jnp.where(valid[:, :, None], gv, 0.0)
    scale = jnp.sqrt(jnp.asarray(D_, dtype=jnp.float32))
    attn_scores = jnp.einsum('bqd,bkd->bqk', q2, gk) / scale
    attn_scores = jnp.where(valid[:, None, :], attn_scores, -jnp.inf)
    attn_probs = jax.nn.softmax(attn_scores, axis=-1)
    context = jnp.einsum('bqk,bkd->bqd', attn_probs, gv)
    # global-query rows attend over ALL keys; computed densely then selected
    full_scores = jnp.einsum('bqd,bkd->bqk', q2, k2) / scale
    full_probs = jax.nn.softmax(full_scores, axis=-1)
    full_ctx = jnp.einsum('bqk,bkd->bqd', full_probs, v2)
    context = jnp.where(is_global[:, :, None], full_ctx, context)
    return (context.reshape(B_, H_, S_, D_), attn_probs.reshape(B_, H_, S_, S_))


def reference(q, k, v, numeric_embedding_manager, attention_mask):
    return _forward(q, k, v, attention_mask)

if __name__ == "__main__":
    import jax
    _d = setup_inputs()
    print(jax.jit(kernel)(*tuple(_d.values())))

</pallas_src>

<mosaic_0001>
#map = affine_map<(d0, d1) -> (0, 0)>
#map1 = affine_map<(d0, d1) -> (0)>
module attributes {stable_mosaic.version = 14 : i64} {
  func.func @scatter_kernel(%arg0: i32, %arg1: i32, %arg2: memref<2048x768xf32, #tpu.memory_space<hbm>>, %arg3: memref<2048x768xf32, #tpu.memory_space<hbm>>, %arg4: memref<2048xi32, #tpu.memory_space<hbm>>, %arg5: memref<2048x768xf32, #tpu.memory_space<hbm>>, %arg6: memref<2048x768xf32, #tpu.memory_space<hbm>>, %arg7: memref<64xi32, #tpu.memory_space<vmem>>, %arg8: memref<64x768xf32, #tpu.memory_space<vmem>>, %arg9: memref<64x768xf32, #tpu.memory_space<vmem>>, %arg10: memref<!tpu.dma_semaphore, #tpu.memory_space<semaphore_mem>>, %arg11: memref<!tpu.dma_semaphore, #tpu.memory_space<semaphore_mem>>, %arg12: memref<!tpu.dma_semaphore, #tpu.memory_space<semaphore_mem>>) attributes {dimension_semantics = [#tpu.dimension_semantics<core_parallel>, #tpu.dimension_semantics<subcore_parallel>], iteration_bounds = array<i64: 2, 16>, scalar_prefetch = 0 : i64, scratch_operands = 6 : i64, tpu.core_type = #tpu.core_type<sc_vector_subcore>, window_params = [{transform_indices = #map}, {transform_indices = #map}, {transform_indices = #map1}, {transform_indices = #map}, {transform_indices = #map}]} {
    %mul3A = arith.constant 2 : i32
    %mul3A_0 = arith.muli %arg1, %mul3A : i32
    %add3A = arith.addi %mul3A_0, %arg0 : i32
    %mul3A_1 = arith.constant 64 : i32
    %mul3A_2 = arith.muli %add3A, %mul3A_1 : i32
    %dma_start3A = arith.constant 0 : i32
    %dma_start3A_3 = tpu.memref_slice %arg2[%mul3A_2, %dma_start3A] : memref<2048x768xf32, #tpu.memory_space<hbm>> -> memref<64x768xf32, #tpu.memory_space<hbm>>
    %dma_start3A_4 = arith.constant 0 : i32
    %dma_start3A_5 = tpu.memref_slice %arg2[%mul3A_2, %dma_start3A_4] : memref<2048x768xf32, #tpu.memory_space<hbm>> -> memref<64x768xf32, #tpu.memory_space<hbm>>
    tpu.enqueue_dma source(%dma_start3A_5 : memref<64x768xf32, #tpu.memory_space<hbm>>) target(%arg8 : memref<64x768xf32, #tpu.memory_space<vmem>>) target_semaphore(%arg10 : memref<!tpu.dma_semaphore, #tpu.memory_space<semaphore_mem>>)
    %dma_start3A_6 = arith.constant 0 : i32
    %dma_start3A_7 = tpu.memref_slice %arg3[%mul3A_2, %dma_start3A_6] : memref<2048x768xf32, #tpu.memory_space<hbm>> -> memref<64x768xf32, #tpu.memory_space<hbm>>
    %dma_start3A_8 = arith.constant 0 : i32
    %dma_start3A_9 = tpu.memref_slice %arg3[%mul3A_2, %dma_start3A_8] : memref<2048x768xf32, #tpu.memory_space<hbm>> -> memref<64x768xf32, #tpu.memory_space<hbm>>
    tpu.enqueue_dma source(%dma_start3A_9 : memref<64x768xf32, #tpu.memory_space<hbm>>) target(%arg9 : memref<64x768xf32, #tpu.memory_space<vmem>>) target_semaphore(%arg11 : memref<!tpu.dma_semaphore, #tpu.memory_space<semaphore_mem>>)
    "tpu.region"() ({
      %run_scoped3A = tpu.sem_alloc : memref<!tpu.dma_semaphore, #tpu.memory_space<semaphore_mem>>
      %dma_start3A_29 = tpu.memref_slice %arg4[%mul3A_2] : memref<2048xi32, #tpu.memory_space<hbm>> -> memref<64xi32, #tpu.memory_space<hbm>>
      %dma_start3A_30 = tpu.memref_slice %arg4[%mul3A_2] : memref<2048xi32, #tpu.memory_space<hbm>> -> memref<64xi32, #tpu.memory_space<hbm>>
      tpu.enqueue_dma source(%dma_start3A_30 : memref<64xi32, #tpu.memory_space<hbm>>) target(%arg7 : memref<64xi32, #tpu.memory_space<vmem>>) target_semaphore(%run_scoped3A : memref<!tpu.dma_semaphore, #tpu.memory_space<semaphore_mem>>)
      %dma_wait3A_31 = tpu.memref_slice %arg4[%mul3A_2] : memref<2048xi32, #tpu.memory_space<hbm>> -> memref<64xi32, #tpu.memory_space<hbm>>
      %dma_wait3A_32 = tpu.memref_slice %arg4[%mul3A_2] : memref<2048xi32, #tpu.memory_space<hbm>> -> memref<64xi32, #tpu.memory_space<hbm>>
      tpu.wait_dma2 semaphore(%run_scoped3A : memref<!tpu.dma_semaphore, #tpu.memory_space<semaphore_mem>>) src(%dma_wait3A_32 : memref<64xi32, #tpu.memory_space<hbm>>) dst(%arg7 : memref<64xi32, #tpu.memory_space<vmem>>)
      tpu.yield
    }) : () -> ()
    %dma_wait3A = arith.constant 0 : i32
    %dma_wait3A_10 = tpu.memref_slice %arg2[%mul3A_2, %dma_wait3A] : memref<2048x768xf32, #tpu.memory_space<hbm>> -> memref<64x768xf32, #tpu.memory_space<hbm>>
    %dma_wait3A_11 = arith.constant 0 : i32
    %dma_wait3A_12 = tpu.memref_slice %arg2[%mul3A_2, %dma_wait3A_11] : memref<2048x768xf32, #tpu.memory_space<hbm>> -> memref<64x768xf32, #tpu.memory_space<hbm>>
    tpu.wait_dma2 semaphore(%arg10 : memref<!tpu.dma_semaphore, #tpu.memory_space<semaphore_mem>>) src(%dma_wait3A_12 : memref<64x768xf32, #tpu.memory_space<hbm>>) dst(%arg8 : memref<64x768xf32, #tpu.memory_space<vmem>>)
    %dma_start3A_13 = arith.constant 0 : i32
    %dma_start3A_14 = arith.constant 0 : i32
    %dma_start3A_15 = tpu.memref_slice %arg5[%dma_start3A_13, %dma_start3A_14] : memref<2048x768xf32, #tpu.memory_space<hbm>> -> memref<2048x768xf32, #tpu.memory_space<hbm>>
    tpu.enqueue_indirect_dma source(%arg8 : memref<64x768xf32, #tpu.memory_space<vmem>>) target(%dma_start3A_15 : memref<2048x768xf32, #tpu.memory_space<hbm>>) offsets(%arg7 : memref<64xi32, #tpu.memory_space<vmem>>) semaphore(%arg12 : memref<!tpu.dma_semaphore, #tpu.memory_space<semaphore_mem>>)
    %dma_wait3A_16 = arith.constant 0 : i32
    %dma_wait3A_17 = tpu.memref_slice %arg3[%mul3A_2, %dma_wait3A_16] : memref<2048x768xf32, #tpu.memory_space<hbm>> -> memref<64x768xf32, #tpu.memory_space<hbm>>
    %dma_wait3A_18 = arith.constant 0 : i32
    %dma_wait3A_19 = tpu.memref_slice %arg3[%mul3A_2, %dma_wait3A_18] : memref<2048x768xf32, #tpu.memory_space<hbm>> -> memref<64x768xf32, #tpu.memory_space<hbm>>
    tpu.wait_dma2 semaphore(%arg11 : memref<!tpu.dma_semaphore, #tpu.memory_space<semaphore_mem>>) src(%dma_wait3A_19 : memref<64x768xf32, #tpu.memory_space<hbm>>) dst(%arg9 : memref<64x768xf32, #tpu.memory_space<vmem>>)
    %dma_start3A_20 = arith.constant 0 : i32
    %dma_start3A_21 = arith.constant 0 : i32
    %dma_start3A_22 = tpu.memref_slice %arg6[%dma_start3A_20, %dma_start3A_21] : memref<2048x768xf32, #tpu.memory_space<hbm>> -> memref<2048x768xf32, #tpu.memory_space<hbm>>
    tpu.enqueue_indirect_dma source(%arg9 : memref<64x768xf32, #tpu.memory_space<vmem>>) target(%dma_start3A_22 : memref<2048x768xf32, #tpu.memory_space<hbm>>) offsets(%arg7 : memref<64xi32, #tpu.memory_space<vmem>>) semaphore(%arg12 : memref<!tpu.dma_semaphore, #tpu.memory_space<semaphore_mem>>)
    %dma_wait3A_23 = arith.constant 0 : i32
    %dma_wait3A_24 = arith.constant 0 : i32
    %dma_wait3A_25 = tpu.memref_slice %arg5[%dma_wait3A_23, %dma_wait3A_24] : memref<2048x768xf32, #tpu.memory_space<hbm>> -> memref<2048x768xf32, #tpu.memory_space<hbm>>
    tpu.wait_indirect_dma semaphore(%arg12 : memref<!tpu.dma_semaphore, #tpu.memory_space<semaphore_mem>>) src(%arg8 : memref<64x768xf32, #tpu.memory_space<vmem>>) dst(%dma_wait3A_25 : memref<2048x768xf32, #tpu.memory_space<hbm>>)
    %dma_wait3A_26 = arith.constant 0 : i32
    %dma_wait3A_27 = arith.constant 0 : i32
    %dma_wait3A_28 = tpu.memref_slice %arg6[%dma_wait3A_26, %dma_wait3A_27] : memref<2048x768xf32, #tpu.memory_space<hbm>> -> memref<2048x768xf32, #tpu.memory_space<hbm>>
    tpu.wait_indirect_dma semaphore(%arg12 : memref<!tpu.dma_semaphore, #tpu.memory_space<semaphore_mem>>) src(%arg9 : memref<64x768xf32, #tpu.memory_space<vmem>>) dst(%dma_wait3A_28 : memref<2048x768xf32, #tpu.memory_space<hbm>>)
    return
  }
}

module attributes {stable_mosaic.version = 14 : i64} {
  func.func @_attn_body(%arg0: i32, %arg1: i32, %arg2: memref<1x256x64xf32, #tpu.memory_space<vmem>>, %arg3: memref<1x2048x64xbf16, #tpu.memory_space<vmem>>, %arg4: memref<1x2048x64xbf16, #tpu.memory_space<vmem>>, %arg5: memref<1x2048xf32, #tpu.memory_space<vmem>>, %arg6: memref<256x1xf32, #tpu.memory_space<vmem>>, %arg7: memref<1x256x2048xf32, #tpu.memory_space<vmem>>, %arg8: memref<1x256x64xf32, #tpu.memory_space<vmem>>) attributes {dimension_semantics = [#tpu.dimension_semantics<arbitrary>, #tpu.dimension_semantics<arbitrary>], iteration_bounds = array<i64: 12, 8>, scalar_prefetch = 0 : i64, scratch_operands = 0 : i64, tpu.core_type = #tpu.core_type<tc>, window_params = [{transform_indices = @transform_0, window_bounds = array<i64: 1, 256, 64>}, {transform_indices = @transform_1, window_bounds = array<i64: 1, 2048, 64>}, {transform_indices = @transform_2, window_bounds = array<i64: 1, 2048, 64>}, {pipeline_mode = #tpu.pipeline_mode<synchronous>, transform_indices = @transform_3, window_bounds = array<i64: 1, 2048>}, {transform_indices = @transform_4, window_bounds = array<i64: 256, 1>}, {transform_indices = @transform_5, window_bounds = array<i64: 1, 256, 2048>}, {transform_indices = @transform_6, window_bounds = array<i64: 1, 256, 64>}]} {
    %get3A = arith.constant 0 : index
    %get3A_0 = arith.constant 0 : index
    %get3A_1 = arith.constant 0 : index
    %get3A_2 = vector.load %arg2[%get3A, %get3A_0, %get3A_1] : memref<1x256x64xf32, #tpu.memory_space<vmem>>, vector<1x256x64xf32>
    %get3A_3 = vector.shape_cast %get3A_2 : vector<1x256x64xf32> to vector<256x64xf32>
    %mul3A = arith.constant 1.250000e-01 : f32
    %mul3A_4 = vector.broadcast %mul3A : f32 to vector<256x64xf32>
    %mul3A_5 = arith.mulf %get3A_3, %mul3A_4 : vector<256x64xf32>
    %convert_element_type3A = arith.truncf %mul3A_5 : vector<256x64xf32> to vector<256x64xbf16>
    %get3A_6 = arith.constant 0 : index
    %get3A_7 = arith.constant 0 : index
    %get3A_8 = vector.load %arg5[%get3A_6, %get3A_7] : memref<1x2048xf32, #tpu.memory_space<vmem>>, vector<1x2048xf32>
    %get3A_9 = arith.constant 0 : index
    %get3A_10 = arith.constant 0 : index
    %get3A_11 = vector.load %arg6[%get3A_9, %get3A_10] : memref<256x1xf32, #tpu.memory_space<vmem>>, vector<256x1xf32>
    %get3A_12 = arith.constant 0 : index
    %get3A_13 = arith.constant 0 : index
    %get3A_14 = arith.constant 0 : index
    %get3A_15 = vector.load %arg3[%get3A_12, %get3A_13, %get3A_14] : memref<1x2048x64xbf16, #tpu.memory_space<vmem>>, vector<1x2048x64xbf16>
    %get3A_16 = vector.shape_cast %get3A_15 : vector<1x2048x64xbf16> to vector<2048x64xbf16>
    %dot_general3A = arith.constant dense<0.000000e+00> : vector<256x2048xf32>
    %dot_general3A_17 = tpu.matmul %convert_element_type3A, %get3A_16, %dot_general3A {dimension_numbers = #tpu.dot_dimension_numbers<[1], [1], [0], [0], [0, 0, 1, 0], [], []>, transpose_lhs_hint = false} : vector<256x64xbf16>, vector<2048x64xbf16>, vector<256x2048xf32> -> vector<256x2048xf32>
    %exp3A = math.exp %dot_general3A_17 : vector<256x2048xf32>
    %mul3A_18 = vector.broadcast %get3A_8 : vector<1x2048xf32> to vector<256x2048xf32>
    %mul3A_19 = arith.mulf %exp3A, %mul3A_18 : vector<256x2048xf32>
    %reduce_sum3A = arith.constant dense<0.000000e+00> : vector<256xf32>
    %reduce_sum3A_20 = vector.multi_reduction <add>, %exp3A, %reduce_sum3A [1] : vector<256x2048xf32> to vector<256xf32>
    %broadcast_in_dim3A = vector.shape_cast %reduce_sum3A_20 : vector<256xf32> to vector<256x1xf32>
    %reduce_sum3A_21 = arith.constant dense<0.000000e+00> : vector<256xf32>
    %reduce_sum3A_22 = vector.multi_reduction <add>, %mul3A_19, %reduce_sum3A_21 [1] : vector<256x2048xf32> to vector<256xf32>
    %broadcast_in_dim3A_23 = vector.shape_cast %reduce_sum3A_22 : vector<256xf32> to vector<256x1xf32>
    %div3A = arith.constant 1.000000e+00 : f32
    %div3A_24 = vector.broadcast %div3A : f32 to vector<256x1xf32>
    %div3A_25 = arith.divf %div3A_24, %broadcast_in_dim3A_23 : vector<256x1xf32>
    %mul3A_26 = vector.broadcast %div3A_25 : vector<256x1xf32> to vector<256x2048xf32>
    %mul3A_27 = arith.mulf %mul3A_19, %mul3A_26 : vector<256x2048xf32>
    %swap3A = arith.constant 0 : index
    %swap3A_28 = arith.constant 0 : index
    %swap3A_29 = arith.constant 0 : index
    %swap3A_30 = vector.load %arg7[%swap3A, %swap3A_28, %swap3A_29] : memref<1x256x2048xf32, #tpu.memory_space<vmem>>, vector<1x256x2048xf32>
    %swap3A_31 = vector.shape_cast %swap3A_30 : vector<1x256x2048xf32> to vector<256x2048xf32>
    %swap3A_32 = vector.shape_cast %mul3A_27 : vector<256x2048xf32> to vector<1x256x2048xf32>
    tpu.vector_store %arg7[%swap3A, %swap3A_28, %swap3A_29], %swap3A_32 {strides = array<i32>} : memref<1x256x2048xf32, #tpu.memory_space<vmem>>, vector<1x256x2048xf32>,
    %gt3A = arith.constant 0.000000e+00 : f32
    %gt3A_33 = vector.broadcast %gt3A : f32 to vector<256x1xf32>
    %gt3A_34 = arith.cmpf ogt, %get3A_11, %gt3A_33 : vector<256x1xf32>
    %select_n3A = arith.select %gt3A_34, %broadcast_in_dim3A, %broadcast_in_dim3A_23 : vector<256x1xi1>, vector<256x1xf32>
    %gt3A_35 = arith.constant 0.000000e+00 : f32
    %gt3A_36 = vector.broadcast %gt3A_35 : f32 to vector<256x1xf32>
    %gt3A_37 = arith.cmpf ogt, %get3A_11, %gt3A_36 : vector<256x1xf32>
    %broadcast_in_dim3A_38 = vector.shape_cast %gt3A_37 : vector<256x1xi1> to vector<256x1xi1>
    %broadcast_in_dim3A_39 = vector.broadcast %broadcast_in_dim3A_38 : vector<256x1xi1> to vector<256x2048xi1>
    %select_n3A_40 = arith.select %broadcast_in_dim3A_39, %exp3A, %mul3A_19 : vector<256x2048xi1>, vector<256x2048xf32>
    %div3A_41 = arith.constant 1.000000e+00 : f32
    %div3A_42 = vector.broadcast %div3A_41 : f32 to vector<256x1xf32>
    %div3A_43 = arith.divf %div3A_42, %select_n3A : vector<256x1xf32>
    %mul3A_44 = vector.broadcast %div3A_43 : vector<256x1xf32> to vector<256x2048xf32>
    %mul3A_45 = arith.mulf %select_n3A_40, %mul3A_44 : vector<256x2048xf32>
    %convert_element_type3A_46 = arith.truncf %mul3A_45 : vector<256x2048xf32> to vector<256x2048xbf16>
    %get3A_47 = arith.constant 0 : index
    %get3A_48 = arith.constant 0 : index
    %get3A_49 = arith.constant 0 : index
    %get3A_50 = vector.load %arg4[%get3A_47, %get3A_48, %get3A_49] : memref<1x2048x64xbf16, #tpu.memory_space<vmem>>, vector<1x2048x64xbf16>
    %get3A_51 = vector.shape_cast %get3A_50 : vector<1x2048x64xbf16> to vector<2048x64xbf16>
    %dot_general3A_52 = arith.constant dense<0.000000e+00> : vector<256x64xf32>
    %dot_general3A_53 = tpu.matmul %convert_element_type3A_46, %get3A_51, %dot_general3A_52 {dimension_numbers = #tpu.dot_dimension_numbers<[1], [0], [0], [1], [0, 0, 1, 1], [], []>, transpose_lhs_hint = false} : vector<256x2048xbf16>, vector<2048x64xbf16>, vector<256x64xf32> -> vector<256x64xf32>
    %swap3A_54 = arith.constant 0 : index
    %swap3A_55 = arith.constant 0 : index
    %swap3A_56 = arith.constant 0 : index
    %swap3A_57 = vector.load %arg8[%swap3A_54, %swap3A_55, %swap3A_56] : memref<1x256x64xf32, #tpu.memory_space<vmem>>, vector<1x256x64xf32>
    %swap3A_58 = vector.shape_cast %swap3A_57 : vector<1x256x64xf32> to vector<256x64xf32>
    %swap3A_59 = vector.shape_cast %dot_general3A_53 : vector<256x64xf32> to vector<1x256x64xf32>
    tpu.vector_store %arg8[%swap3A_54, %swap3A_55, %swap3A_56], %swap3A_59 {strides = array<i32>} : memref<1x256x64xf32, #tpu.memory_space<vmem>>, vector<1x256x64xf32>,
    return
  }
  func.func @transform_0(%arg0: i32, %arg1: i32) -> (i32, i32, i32) {
    %c0_i32 = arith.constant 0 : i32
    %c0_i32_0 = arith.constant 0 : i32
    return %arg0, %arg1, %c0_i32 : i32, i32, i32
  }
  func.func @transform_1(%arg0: i32, %arg1: i32) -> (i32, i32, i32) {
    %c0_i32 = arith.constant 0 : i32
    %c0_i32_0 = arith.constant 0 : i32
    %c0_i32_1 = arith.constant 0 : i32
    return %arg0, %c0_i32, %c0_i32_0 : i32, i32, i32
  }
  func.func @transform_2(%arg0: i32, %arg1: i32) -> (i32, i32, i32) {
    %c0_i32 = arith.constant 0 : i32
    %c0_i32_0 = arith.constant 0 : i32
    %c0_i32_1 = arith.constant 0 : i32
    return %arg0, %c0_i32, %c0_i32_0 : i32, i32, i32
  }
  func.func @transform_3(%arg0: i32, %arg1: i32) -> (i32, i32) {
    %c0_i32 = arith.constant 0 : i32
    %c0_i32_0 = arith.constant 0 : i32
    %c0_i32_1 = arith.constant 0 : i32
    return %c0_i32, %c0_i32_0 : i32, i32
  }
  func.func @transform_4(%arg0: i32, %arg1: i32) -> (i32, i32) {
    %c0_i32 = arith.constant 0 : i32
    %c0_i32_0 = arith.constant 0 : i32
    return %arg1, %c0_i32 : i32, i32
  }
  func.func @transform_5(%arg0: i32, %arg1: i32) -> (i32, i32, i32) {
    %c0_i32 = arith.constant 0 : i32
    %c0_i32_0 = arith.constant 0 : i32
    return %arg0, %arg1, %c0_i32 : i32, i32, i32
  }
  func.func @transform_6(%arg0: i32, %arg1: i32) -> (i32, i32, i32) {
    %c0_i32 = arith.constant 0 : i32
    %c0_i32_0 = arith.constant 0 : i32
    return %arg0, %arg1, %c0_i32 : i32, i32, i32
  }
}

</mosaic_0001>

<sc_bundles>
// kernel: kernel.4.cloned.1.call-start
scs
__scs_entry_jumppad:
0x0: {  	(pc) =	sbr.rel $0x88, $3  }
0x1: {  	(tag) =	ssettag $0x0;
	lr =	simm.s32 $0x1  }
0x2: {  	[smem:$0x3F9D] =	sst lr;
	_ =	strace $0xD0000000  }
0x3: {  	_ = 	snop  }
0x4: {  	_ = 	snop  }
0x5: {  	_ = 	snop  }
0x6: {  	_ = 	snop  }
0x7: {  	_ = 	snop  }
__scs_overlays_trampoline_lowered:
0x8: {  	[smem:$0x3FAC] =	sst s0  }
0x9: {  	[smem:$0x3FAD] =	sst s1  }
0xa: {  	[smem:$0x3FAE] =	sst s2  }
0xb: {  	[smem:$0x3FAF] =	sst s3  }
0xc: {  	[smem:$0x3FB0] =	sst s4  }
0xd: {  	[smem:$0x3FB1] =	sst s5  }
0xe: {  	[smem:$0x3FB2] =	sst s6  }
0xf: {  	[smem:$0x3FB3] =	sst s7  }
0x10: {  	[smem:$0x3FB4] =	sst s8  }
0x11: {  	[smem:$0x3FB5] =	sst s9;
	s0 =	simm.s32 @!p0 $0x0  }
0x12: {  	s1 =	sld [smem:$0x3F9B];
	s0 =	simm.s32 @p0 $0x1  }
0x13: {  	[smem:$0x3FB6] =	sst s0;
	s0 =	simm.s32 @!p1 $0x0  }
0x14: {  	s2 =	sld [smem:$0x3F9A];
	s0 =	simm.s32 @p1 $0x1  }
0x15: {  	[smem:$0x3FB7] =	sst s0;
	s0 =	simm.s32 @!p2 $0x0  }
0x16: {  	s3 =	sld [smem:$0x3FDB];
	s0 =	simm.s32 @p2 $0x1  }
0x17: {  	s4 =	simm.s32 $0x1BF5;
	[smem:$0x3FB9] =	sst s0  }
0x18: {  	s0 =	sld [smem:$0x3F9C];
	_ =	swait.ge [sflag:s4], $0x0  }
0x19: {  	s7 =	sld [smem:$0x3F9D]  }
0x1a: {  	s8 =	sadd.s32 $0xFFFFE003, lr  }
0x1b: {  	s9 =	sadd.s32 $0xFFFFFEF7, lr;
	s5 =	simm.s32 $0xFFFFFFFF;
	p2 =	slt.u32 s8, $0xFFFFF086  }
0x1c: {  	p1 =	slt.u32 s9, $0xF7A;
	s5 =	simm.s32 @!p2 $0x0  }
0x1d: {  	s5 =	simm.s32 @p1 $0x1;
	p0 =	seq.s32 s7, s2  }
0x1e: {  	s7 =	smul.u32 @!p0 $0xF7A, s2;
	p2 =	seq.s32 @!p0 s5, $0x0  }
0x1f: {  	s9 =	smul.u32 $0xF7A, s1;
	s8 =	simm.s32 @!p0 $0x1BF5;
	p2 =	por !p2, p0  }
0x20: {  	[sflag:s8] =	ssyncset.s32 @!p0 $0xFFFFF086;
	s6 =	sadd.s32 @!p0 s3, s7;
	s7 =	simm.s32 @!p0 $0x108  }
0x21: {  	s3 =	sadd.s32 s3, s9;
	s6 =	sadd.s32 @!p0 $0x88, s6;
	s7 =	simm.s32 @p2 $0x1082  }
0x22: {  	[simem:s7], [sflag:s8] =	dma.local @!p0 [hbm:s6], $0xF7A  }
0x23: {  	s9 =	sor.u32 $0xD0000000, s2;
	s6 =	simm.s32 $0x108;
	_ =	swait.ge @!p0 [sflag:s8], $0x0  }
0x24: {  	s3 =	sadd.s32 $0x88, s3;
	s6 =	simm.s32 @!p1 $0x1082;
	[sflag:s4] =	ssyncset.s32 $0xFFFFF086  }
0x25: {  	[simem:s6], [sflag:s4] =	dma.local [hbm:s3], $0xF7A  }
0x26: {  	[smem:$0x3F9D] =	sst s1;
	(tag) =	ssettag s2;
	_ =	strace s9  }
0x27: {  	s1 =	sld [smem:$0x3FAD]  }
0x28: {  	s2 =	sld [smem:$0x3FAE]  }
0x29: {  	s4 =	sld [smem:$0x3FB0]  }
0x2a: {  	p0 =	seq.s32 s5, $0x0;
	s5 =	sld [smem:$0x3FB1]  }
0x2b: {  	s6 =	sld [smem:$0x3FB2]  }
0x2c: {  	s7 =	sld [smem:$0x3FB3]  }
0x2d: {  	s3 =	simm.s32 $0x108;
	s8 =	sld [smem:$0x3FB4]  }
0x2e: {  	s3 =	simm.s32 @!p0 $0x1082;
	s9 =	sld [smem:$0x3FB5]  }
0x2f: {  	lr =	sadd.s32 s0, s3;
	s0 =	sld [smem:$0x3FAC]  }
0x30: {  	s3 =	sld [smem:$0x3FAF]  }
0x31: {  	[smem:$0x3FB8] =	sst s10  }
0x32: {  	s10 =	sld [smem:$0x3FB6];
	_ =	sdelay $0x3  }
0x33: {  	p0 =	seq.s32 s10, $0x1;
	s10 =	sld [smem:$0x3FB8];
	_ =	sdelay $0x3  }
0x34: {  	[smem:$0x3FB8] =	sst s10  }
0x35: {  	s10 =	sld [smem:$0x3FB7];
	_ =	sdelay $0x3  }
0x36: {  	p1 =	seq.s32 s10, $0x1;
	s10 =	sld [smem:$0x3FB8];
	_ =	sdelay $0x3  }
0x37: {  	[smem:$0x3FB8] =	sst s10  }
0x38: {  	s10 =	sld [smem:$0x3FB9]  }
0x39: {  	_ = 	snop;
	(pc) =	sbr.ind lr, $3  }
0x3a: {  	_ = 	snop  }
0x3b: {  	_ = 	snop  }
0x3c: {  	p2 =	seq.s32 s10, $0x1;
	s10 =	sld [smem:$0x3FB8]  }
0x3d: {  	_ =	shalt  }
0x3e: {  	_ =	shalt  }
0x3f: {  	_ =	shalt  }
0x40: {  	_ =	shalt  }
0x41: {  	_ =	shalt  }
0x42: {  	_ =	shalt  }
0x43: {  	_ =	shalt  }
0x44: {  	_ =	shalt  }
0x45: {  	_ =	shalt  }
0x46: {  	_ =	shalt  }
0x47: {  	_ =	shalt  }
0x48: {  	_ =	shalt  }
0x49: {  	_ =	shalt  }
0x4a: {  	_ =	shalt  }
0x4b: {  	_ =	shalt  }
0x4c: {  	_ =	shalt  }
0x4d: {  	_ =	shalt  }
0x4e: {  	_ =	shalt  }
0x4f: {  	_ =	shalt  }
0x50: {  	_ =	shalt  }
0x51: {  	_ =	shalt  }
0x52: {  	_ =	shalt  }
0x53: {  	_ =	shalt  }
0x54: {  	_ =	shalt  }
0x55: {  	_ =	shalt  }
0x56: {  	_ =	shalt  }
0x57: {  	_ =	shalt  }
0x58: {  	_ =	shalt  }
0x59: {  	_ =	shalt  }
0x5a: {  	_ =	shalt  }
0x5b: {  	_ =	shalt  }
0x5c: {  	_ =	shalt  }
0x5d: {  	_ =	shalt  }
0x5e: {  	_ =	shalt  }
0x5f: {  	_ =	shalt  }
0x60: {  	_ =	shalt  }
0x61: {  	_ =	shalt  }
0x62: {  	_ =	shalt  }
0x63: {  	_ =	shalt  }
0x64: {  	_ =	shalt  }
0x65: {  	_ =	shalt  }
0x66: {  	_ =	shalt  }
0x67: {  	_ =	shalt  }
0x68: {  	_ =	shalt  }
0x69: {  	_ =	shalt  }
0x6a: {  	_ =	shalt  }
0x6b: {  	_ =	shalt  }
0x6c: {  	_ =	shalt  }
0x6d: {  	_ =	shalt  }
0x6e: {  	_ =	shalt  }
0x6f: {  	_ =	shalt  }
0x70: {  	_ =	shalt  }
0x71: {  	_ =	shalt  }
0x72: {  	_ =	shalt  }
0x73: {  	_ =	shalt  }
0x74: {  	_ =	shalt  }
0x75: {  	_ =	shalt  }
0x76: {  	_ =	shalt  }
0x77: {  	_ =	shalt  }
0x78: {  	_ =	shalt  }
0x79: {  	_ =	shalt  }
0x7a: {  	_ =	shalt  }
0x7b: {  	_ =	shalt  }
0x7c: {  	_ =	shalt  }
0x7d: {  	_ =	shalt  }
0x7e: {  	_ =	shalt  }
0x7f: {  	_ =	shalt  }
0x80: {  	_ =	shalt  }
0x81: {  	_ =	shalt  }
0x82: {  	_ =	shalt  }
0x83: {  	_ =	shalt  }
0x84: {  	_ =	shalt  }
0x85: {  	_ =	shalt  }
0x86: {  	_ =	shalt  }
0x87: {  	_ =	shalt  }
.Lfunc_end0:
.L_simem_size_0:
called_computation_lowered:
.L_overlay_start_0:
0x88: {  	s2 =	sld [smem:$0x3FD9]  }
0x89: {  	s3 =	sld [smem:$0x3FFE];
	_ =	sdelay $0x1  }
0x8a: {  	s1 =	srdreg.scid  }
0x8b: {  	s0 =	sand.u32 $0x1, s1  }
0x8c: {  	s14 =	sshll.u32 s0, $0xA;
	s2 =	sadd.s32 s3, s2  }
0x8d: {  	s2 =	sadd.s32 s2, s14  }
0x8e: {  	[smem:$0x3FC4] =	sst s2  }
0x8f: {  	_ = 	snop  }
0x90: {  	s2 =	sld [smem:$0x3FD0];
	_ =	sdelay $0x2  }
0x91: {  	s15 =	simm.s32 $0xA;
	s4 =	simm.s32 $0x10  }
0x92: {  	[smem:s4], [sflag:s15] =	dma.local [hbm:s2], $0x1  }
0x93: {  	_ =	swait.eq [sflag:s15], $0x1  }
0x94: {  	[sflag:s15] =	ssyncset.done $0x0  }
0x95: {  	s16 =	sld [smem:$0x10];
	[sflag:s15] =	ssyncadd.s32 $0xFFFFFFFF  }
0x96: {  	s17 =	sld [smem:$0x11];
	(tm) =	ssettm $0x1  }
0x97: {  	s18 =	sld [smem:$0x3FFB];
	_ =	sdelay $0x3  }
0x98: {  	_ =	strace s18  }
0x99: {  	s4 =	sld [smem:$0x3FFC];
	_ =	sdelay $0x3  }
0x9a: {  	_ =	strace s4  }
0x9b: {  	s4 =	sld [smem:$0x3FFD];
	_ =	sdelay $0x3  }
0x9c: {  	_ =	strace s4  }
0x9d: {  	_ =	strace $0x8FFFFFFF  }
0x9e: {  	s19 =	sld [smem:$0x3FDB];
	_ =	sdelay $0x1  }
0x9f: {  	s5 =	simm.s32 $_scs_section_size  }
0xa0: {  	s6 =	simm.s32 $_size__tile_overlayer_lowered;
	s7 =	simm.s32 $_tile_overlayer_lowered  }
0xa1: {  	s22 =	simm.s32 $0x1BFF;
	s21 =	sshll.u32 s7, $0x1;
	s4 =	sadd.s32 s5, s19  }
0xa2: {  	s8 =	simm.s32 $0x0;
	s20 =	sshll.u32 s6, $0x1;
	s6 =	sadd.s32 s21, s4  }
0xa3: {  	[timem:s8], [sflag:s22] =	dma.local [hbm:s6], s20  }
0xa4: {  	_ =	swait.ge [sflag:s22], s20  }
0xa5: {  	s5 =	ssub.s32 $0x0, s20;
	[sflag:s22] =	ssyncset.done $0x0  }
0xa6: {  	[sflag:s22] =	ssyncadd.s32 s5;
	_ =	sdelay $0x1  }
0xa7: {  	s23 =	simm.s32 $0x1B8B  }
0xa8: {  	_ =	swait.ge [sflag:s23], $0x1  }
0xa9: {  	[sflag:s23] =	ssyncset.done $0x0  }
0xaa: {  	s25 =	simm.s32 $0x1B8E;
	s24 =	sld [smem:$0x3FFE];
	[sflag:s23] =	ssyncadd.s32 $0xFFFFFFFF  }
0xab: {  	s26 =	simm.s32 $execute0_lowered;
	[smem:$0x3FD2] =	sst s25  }
0xac: {  	s6 =	sshll.u32 s26, $0x1;
	_ =	strace $0x80000046;
	[dreg:$0x1] =	wrdreg $0xFFFFFFFF  }
0xad: {  	s28 =	simm.s32 $_size_execute0_lowered;
	s4 =	sadd.s32 s4, s6;
	[dreg:$0x0] =	wrdreg $0x0  }
0xae: {  	s6 =	sshll.u32 s28, $0x1;
	[dreg:$0x2] =	wrdreg s4  }
0xaf: {  	[dreg:$0x3] =	wrdreg s6  }
0xb0: {  	[dreg:$0x4] =	wrdreg $0xC0  }
0xb1: {  	_ =	task [dreg:s8], $0x5FFFF  }
0xb2: {  	[dreg:$0x1] =	wrdreg $0xFFFFFFFF  }
0xb3: {  	[dreg:$0x0] =	wrdreg $0x60  }
0xb4: {  	[dreg:$0x2] =	wrdreg s16  }
0xb5: {  	[dreg:$0x3] =	wrdreg s17  }
0xb6: {  	[dreg:$0x4] =	wrdreg s24  }
0xb7: {  	[dreg:$0x5] =	wrdreg $0x9  }
0xb8: {  	_ =	task.clear_ibuf [dreg:s8], $0x6FFFF;
	_ =	strace $0x90000046  }
0xb9: {  	s29 =	simm.s32 $0x9;
	_ =	strace $0x80000048  }
0xba: {  	_ =	swait.ge [sflag:s29], $0x1  }
0xbb: {  	[sflag:s29] =	ssyncadd.s32 $0xFFFFFFFF  }
0xbc: {  	_ =	strace $0x90000048  }
0xbd: {  	_ =	sfence  }
0xbe: {  	s30 =	sld [smem:$0x0];
	_ =	sdelay $0x2  }
0xbf: {  	s31 =	sshll.u32 s1, $0xD;
	s1 =	sshrl.u32 s1, $0x2  }
0xc0: {  	s3 =	sand.u32 $0x4000, s31;
	s1 =	sadd.s32 s1, s30  }
0xc1: {  	s0 =	sor.u32 s3, s0;
	s1 =	sshll.u32 s1, $0x11  }
0xc2: {  	s0 =	sor.u32 s1, s0  }
0xc3: {  	s0 =	sadd.s32 $0x8F2B, s0  }
0xc4: {  	[sflag:s0] =	ssyncadd.remote.s32 $0x1  }
0xc5: {  	_ =	sfence.sel $0xFFFF  }
0xc6: {  	[dreg:$0x0] =	wrdreg $0xFFFFFFFF;
	(pc) =	sbr.abs _section_cstart, $3  }
0xc7: {  	[dreg:$0x1] =	wrdreg $0xFFFFFFFF  }
0xc8: {  	_ =	task.clear_ibuf [dreg:s8], $0x2FFFF;
	_ =	strace $0x9FFFFFFF  }
0xc9: {  	(tm) =	ssettm $0x7FFFFFFF  }
tec
execute0_lowered:
.L_overlay_start_1:
0x0: {  	(tag) =	ssettag $0x1  }
0x1: {  	s1 =	srdreg.scid  }
0x2: {  	s3 =	rddreg [dreg:$0x0];
	s0 =	stileid.u32;
	s5 =	sand.u32 $0x1, s1  }
0x3: {  	s4 =	rddreg [dreg:$0x1];
	s2 =	sshll.u32 s0, $0x4;
	s6 =	sshll.u32 s5, $0x3  }
0x4: {  	s1 =	rddreg [dreg:$0x2];
	s6 =	sor.u32 s6, s2;
	s2 =	simm.s32 $0x0  }
0x5: {  	s21 =	simm.s32 $0x880;
	[smem:$0x7FF] =	sst s2  }
0x6: {  	s22 =	simm.s32 $0x1080;
	_ =	strace $0x80000047;
	[dreg:$0x7] =	wrdreg s21  }
0x7: {  	s23 =	simm.s32 $0x1880;
	[dreg:$0x8] =	wrdreg s22  }
0x8: {  	s24 =	simm.s32 $0x2080;
	[dreg:$0x9] =	wrdreg s23  }
0x9: {  	s25 =	simm.s32 $0x2880;
	[dreg:$0xa] =	wrdreg s24  }
0xa: {  	s26 =	simm.s32 $0x3080;
	s8 =	simm.s32 $0x5880;
	[dreg:$0xb] =	wrdreg s25  }
0xb: {  	s9 =	simm.s32 $0x6080;
	s0 =	simm.s32 $0x3880;
	[dreg:$0xc] =	wrdreg s26  }
0xc: {  	s10 =	simm.s32 $0x6880;
	s11 =	simm.s32 $0x7080;
	[dreg:$0xd] =	wrdreg s0  }
0xd: {  	s12 =	simm.s32 $0x7880;
	s13 =	simm.s32 $0x8080;
	[dreg:$0x11] =	wrdreg s8  }
0xe: {  	s14 =	simm.s32 $0x8880;
	s15 =	simm.s32 $0x9080;
	[dreg:$0x12] =	wrdreg s9  }
0xf: {  	s17 =	simm.s32 $0x9880;
	s18 =	simm.s32 $0xA080;
	[dreg:$0x13] =	wrdreg s10  }
0x10: {  	s28 =	simm.s32 $0x16080;
	s29 =	simm.s32 $0x16880;
	[dreg:$0x14] =	wrdreg s11  }
0x11: {  	s30 =	simm.s32 $0x17080;
	s5 =	ssub.s32 $0x2, s5;
	[dreg:$0x15] =	wrdreg s12  }
0x12: {  	s31 =	simm.s32 $0x17880;
	s16 =	sshrl.u32 s5, $0x1;
	[dreg:$0x16] =	wrdreg s13  }
0x13: {  	s7 =	smul.u32 $0x300, s6;
	s6 =	sadd.s32 s6, s1;
	[dreg:$0x17] =	wrdreg s14  }
0x14: {  	s20 =	sadd.s32 $0x400, s6;
	s6 =	simm.s32 $0x4880;
	[dreg:$0x18] =	wrdreg s15  }
0x15: {  	s9 =	ssub.s32 s5, s16;
	[dreg:$0x19] =	wrdreg s17;
	s5 =	sadd.s32 $0x700, s1  }
0x16: {  	[dreg:$0x1a] =	wrdreg s18;
	s8 =	simm.s32 $0xB080;
	s10 =	simm.s32 $0xB880  }
0x17: {  	s21 =	simm.s32 $0xD080;
	s22 =	simm.s32 $0xD880;
	[dreg:$0x6] =	wrdreg s20  }
0x18: {  	s11 =	simm.s32 $0xC080;
	s23 =	simm.s32 $0xE080;
	[dreg:$0xf] =	wrdreg s6  }
0x19: {  	s12 =	simm.s32 $0x4;
	s24 =	simm.s32 $0xE880;
	[dreg:$0x1c] =	wrdreg s8  }
0x1a: {  	s13 =	simm.s32 $0x1;
	s25 =	simm.s32 $0xF080;
	[dreg:$0x1d] =	wrdreg s10  }
0x1b: {  	s14 =	simm.s32 $0x2;
	s26 =	simm.s32 $0xF880;
	[dreg:$0x1f] =	wrdreg s21  }
0x1c: {  	s16 =	simm.s32 $0x10880;
	s17 =	simm.s32 $0x11080;
	[smem:$0x7F9] =	sst s22  }
0x1d: {  	s18 =	simm.s32 $0x11880;
	s3 =	sadd.s32 s3, s7;
	[smem:$0x7FA] =	sst s23  }
0x1e: {  	s19 =	sadd.s32 s4, s7;
	s4 =	simm.s32 $0x4080;
	[smem:$0x7FB] =	sst s24  }
0x1f: {  	s7 =	simm.s32 $0x5080;
	s6 =	sadd.s32 $0x800, s1;
	[smem:$0x7FC] =	sst s25  }
0x20: {  	s8 =	sadd.s32 $0x30800, s1;
	s20 =	simm.s32 $0xC880;
	[smem:$0x7FD] =	sst s26  }
0x21: {  	s9 =	smax.u32 s9, $0x1;
	s10 =	simm.s32 $0x80;
	[dreg:$0x4] =	wrdreg s3  }
0x22: {  	s21 =	simm.s32 $0x13080;
	s22 =	simm.s32 $0x13880;
	[dreg:$0x5] =	wrdreg s19  }
0x23: {  	s23 =	simm.s32 $0x14080;
	s24 =	simm.s32 $0x14880;
	[dreg:$0xe] =	wrdreg s4  }
0x24: {  	s25 =	simm.s32 $0x15080;
	s26 =	simm.s32 $0x15880;
	[dreg:$0x10] =	wrdreg s7  }
0x25: {  	v2 =	vlaneseq.u32;
	s3 =	sadd.s32 $0x600, s1;
	s4 =	sadd.s32 $0x30600, s1;
	s19 =	simm.s32 $0xA880  }
0x26: {  	vm0 =	vmmov $0xffff;
	v1 =	vshrl.u32 v2, $0x3;
	s7 =	sadd.s32 $0x30700, s1;
	[dreg:$0x1e] =	wrdreg s20;
	s20 =	simm.s32 $0x12880  }
0x27: {  	v0 =	vand.u32 $0x7, v2;
	v2 =	vor.u32 $0x8, v2;
	v1 =	vmul.u32 $0x8, v1;
	s1 =	simm.s32 $0x3;
	[dreg:$0x1b] =	wrdreg s19;
	s19 =	simm.s32 $0x12080  }
.LBB2_1:
0x28: {  	s0 =	rddreg [dreg:$0x4]  }
0x29: {  	[tilespmem:s10], [sflag:$0x1] =	stream.linear.gather [hbm4b:s0+s2], $0xC000, $0x38;
	[tilespmem:$0x18080] =	vst v63  }
0x2a: {  	s15 =	rddreg [dreg:$0x5]  }
0x2b: {  	[tilespmem:s11], [sflag:$0x2] =	stream.linear.gather [hbm4b:s15+s2], $0xC000, $0x38;
	[tilespmem:$0x18080] =	vst v63  }
0x2c: {  	s0 =	rddreg [dreg:$0x6]  }
0x2d: {  	[tilespmem:s2], [sflag:$0x4] =	stream.linear.gather [hbm4b:s0+s2], $0x40, $0x38;
	[tilespmem:$0x18080] =	vst v63  }
0x2e: {  	_ =	swait.ge [sflag:s12], $0x40  }
0x2f: {  	[sflag:s12] =	ssyncset.done $0x0  }
0x30: {  	[sflag:s12] =	ssyncadd.s32 $0xFFFFFFC0  }
0x31: {  	_ =	swait.ge [sflag:s13], $0xC000  }
0x32: {  	[sflag:s13] =	ssyncset.done $0x0  }
0x33: {  	[sflag:s13] =	ssyncadd.s32 $0xFFFF4000  }
0x34: {  	v3 =	vld [tilespmem:$0x0];
	_ =	sdelay $0x4  }
0x35: {  	v4 =	vshrl.u32 v3, $0x3  }
0x36: {  	v4 =	vmul.u32 $0x30, v4  }
0x37: {  	v3 =	vand.u32 $0x7, v3  }
0x38: {  	v3 =	vor.u32 v3, v4  }
0x39: {  	v4 =	vperm.xlane v3, v0;
	_ =	sdelay $0x1  }
0x3a: {  	v4 =	vadd.s32 v1, v4;
	_ =	sdelay $0x3  }
0x3b: {  	v3 =	vperm.xlane v3, v2  }
0x3c: {  	[hbm4b:s3+s2] =	stream.indirect_vreg.scatter [tilespmem:s10], [sflag:$0x3], $0x80, v4, vm0, $0xb8;
	[tilespmem:$0x18080] =	vst v63  }
0x3d: {  	s0 =	rddreg [dreg:$0x7];
	v3 =	vadd.s32 v1, v3  }
0x3e: {  	[hbm4b:s5+s2] =	stream.indirect_vreg.scatter [tilespmem:s0], [sflag:$0x3], $0x80, v4, vm0, $0xb8;
	[tilespmem:$0x18080] =	vst v63  }
0x3f: {  	s15 =	rddreg [dreg:$0x8]  }
0x40: {  	[hbm4b:s6+s2] =	stream.indirect_vreg.scatter [tilespmem:s15], [sflag:$0x3], $0x80, v4, vm0, $0xb8;
	[tilespmem:$0x18080] =	vst v63  }
0x41: {  	s0 =	rddreg [dreg:$0x9]  }
0x42: {  	[hbm4b:s3+s2] =	stream.indirect_vreg.scatter [tilespmem:s0], [sflag:$0x3], $0x80, v3, vm0, $0xb8;
	[tilespmem:$0x18080] =	vst v63  }
0x43: {  	s15 =	rddreg [dreg:$0xa]  }
0x44: {  	[hbm4b:s5+s2] =	stream.indirect_vreg.scatter [tilespmem:s15], [sflag:$0x3], $0x80, v3, vm0, $0xb8;
	[tilespmem:$0x18080] =	vst v63  }
0x45: {  	s0 =	rddreg [dreg:$0xb]  }
0x46: {  	[hbm4b:s6+s2] =	stream.indirect_vreg.scatter [tilespmem:s0], [sflag:$0x3], $0x80, v3, vm0, $0xb8;
	[tilespmem:$0x18080] =	vst v63  }
0x47: {  	v3 =	vld [tilespmem:$0x10];
	_ =	sdelay $0x4  }
0x48: {  	v57 =	vshrl.u32 v3, $0x3  }
0x49: {  	v4 =	vmul.u32 $0x30, v57  }
0x4a: {  	v3 =	vand.u32 $0x7, v3  }
0x4b: {  	v3 =	vor.u32 v3, v4  }
0x4c: {  	v4 =	vperm.xlane v3, v0;
	_ =	sdelay $0x1  }
0x4d: {  	v4 =	vadd.s32 v1, v4;
	_ =	sdelay $0x3  }
0x4e: {  	s0 =	rddreg [dreg:$0xc];
	v3 =	vperm.xlane v3, v2  }
0x4f: {  	[hbm4b:s3+s2] =	stream.indirect_vreg.scatter [tilespmem:s0], [sflag:$0x3], $0x80, v4, vm0, $0xb8;
	[tilespmem:$0x18080] =	vst v63  }
0x50: {  	s15 =	rddreg [dreg:$0xd];
	v3 =	vadd.s32 v1, v3  }
0x51: {  	[hbm4b:s5+s2] =	stream.indirect_vreg.scatter [tilespmem:s15], [sflag:$0x3], $0x80, v4, vm0, $0xb8;
	[tilespmem:$0x18080] =	vst v63  }
0x52: {  	s0 =	rddreg [dreg:$0xe]  }
0x53: {  	[hbm4b:s6+s2] =	stream.indirect_vreg.scatter [tilespmem:s0], [sflag:$0x3], $0x80, v4, vm0, $0xb8;
	[tilespmem:$0x18080] =	vst v63  }
0x54: {  	s15 =	rddreg [dreg:$0xf]  }
0x55: {  	[hbm4b:s3+s2] =	stream.indirect_vreg.scatter [tilespmem:s15], [sflag:$0x3], $0x80, v3, vm0, $0xb8;
	[tilespmem:$0x18080] =	vst v63  }
0x56: {  	s0 =	rddreg [dreg:$0x10]  }
0x57: {  	[hbm4b:s5+s2] =	stream.indirect_vreg.scatter [tilespmem:s0], [sflag:$0x3], $0x80, v3, vm0, $0xb8;
	[tilespmem:$0x18080] =	vst v63  }
0x58: {  	s15 =	rddreg [dreg:$0x11]  }
0x59: {  	[hbm4b:s6+s2] =	stream.indirect_vreg.scatter [tilespmem:s15], [sflag:$0x3], $0x80, v3, vm0, $0xb8;
	[tilespmem:$0x18080] =	vst v63  }
0x5a: {  	v3 =	vld [tilespmem:$0x20];
	_ =	sdelay $0x4  }
0x5b: {  	v58 =	vshrl.u32 v3, $0x3  }
0x5c: {  	v4 =	vmul.u32 $0x30, v58  }
0x5d: {  	v3 =	vand.u32 $0x7, v3  }
0x5e: {  	v3 =	vor.u32 v3, v4  }
0x5f: {  	v4 =	vperm.xlane v3, v0;
	_ =	sdelay $0x1  }
0x60: {  	v4 =	vadd.s32 v1, v4;
	_ =	sdelay $0x3  }
0x61: {  	s0 =	rddreg [dreg:$0x12];
	v3 =	vperm.xlane v3, v2  }
0x62: {  	[hbm4b:s3+s2] =	stream.indirect_vreg.scatter [tilespmem:s0], [sflag:$0x3], $0x80, v4, vm0, $0xb8;
	[tilespmem:$0x18080] =	vst v63  }
0x63: {  	s15 =	rddreg [dreg:$0x13];
	v3 =	vadd.s32 v1, v3  }
0x64: {  	[hbm4b:s5+s2] =	stream.indirect_vreg.scatter [tilespmem:s15], [sflag:$0x3], $0x80, v4, vm0, $0xb8;
	[tilespmem:$0x18080] =	vst v63  }
0x65: {  	s0 =	rddreg [dreg:$0x14]  }
0x66: {  	[hbm4b:s6+s2] =	stream.indirect_vreg.scatter [tilespmem:s0], [sflag:$0x3], $0x80, v4, vm0, $0xb8;
	[tilespmem:$0x18080] =	vst v63  }
0x67: {  	s15 =	rddreg [dreg:$0x15]  }
0x68: {  	[hbm4b:s3+s2] =	stream.indirect_vreg.scatter [tilespmem:s15], [sflag:$0x3], $0x80, v3, vm0, $0xb8;
	[tilespmem:$0x18080] =	vst v63  }
0x69: {  	s0 =	rddreg [dreg:$0x16]  }
0x6a: {  	[hbm4b:s5+s2] =	stream.indirect_vreg.scatter [tilespmem:s0], [sflag:$0x3], $0x80, v3, vm0, $0xb8;
	[tilespmem:$0x18080] =	vst v63  }
0x6b: {  	s15 =	rddreg [dreg:$0x17]  }
0x6c: {  	[hbm4b:s6+s2] =	stream.indirect_vreg.scatter [tilespmem:s15], [sflag:$0x3], $0x80, v3, vm0, $0xb8;
	[tilespmem:$0x18080] =	vst v63  }
0x6d: {  	v3 =	vld [tilespmem:$0x30];
	_ =	sdelay $0x4  }
0x6e: {  	v59 =	vshrl.u32 v3, $0x3  }
0x6f: {  	v4 =	vmul.u32 $0x30, v59  }
0x70: {  	v3 =	vand.u32 $0x7, v3  }
0x71: {  	v3 =	vor.u32 v3, v4  }
0x72: {  	v4 =	vperm.xlane v3, v0;
	_ =	sdelay $0x1  }
0x73: {  	v4 =	vadd.s32 v1, v4;
	_ =	sdelay $0x3  }
0x74: {  	s0 =	rddreg [dreg:$0x18];
	v3 =	vperm.xlane v3, v2  }
0x75: {  	[hbm4b:s3+s2] =	stream.indirect_vreg.scatter [tilespmem:s0], [sflag:$0x3], $0x80, v4, vm0, $0xb8;
	[tilespmem:$0x18080] =	vst v63  }
0x76: {  	s15 =	rddreg [dreg:$0x19];
	v3 =	vadd.s32 v1, v3  }
0x77: {  	[hbm4b:s5+s2] =	stream.indirect_vreg.scatter [tilespmem:s15], [sflag:$0x3], $0x80, v4, vm0, $0xb8;
	[tilespmem:$0x18080] =	vst v63  }
0x78: {  	s0 =	rddreg [dreg:$0x1a]  }
0x79: {  	[hbm4b:s6+s2] =	stream.indirect_vreg.scatter [tilespmem:s0], [sflag:$0x3], $0x80, v4, vm0, $0xb8;
	[tilespmem:$0x18080] =	vst v63  }
0x7a: {  	s15 =	rddreg [dreg:$0x1b]  }
0x7b: {  	[hbm4b:s3+s2] =	stream.indirect_vreg.scatter [tilespmem:s15], [sflag:$0x3], $0x80, v3, vm0, $0xb8;
	[tilespmem:$0x18080] =	vst v63  }
0x7c: {  	s0 =	rddreg [dreg:$0x1c]  }
0x7d: {  	[hbm4b:s5+s2] =	stream.indirect_vreg.scatter [tilespmem:s0], [sflag:$0x3], $0x80, v3, vm0, $0xb8;
	[tilespmem:$0x18080] =	vst v63  }
0x7e: {  	s15 =	rddreg [dreg:$0x1d]  }
0x7f: {  	[hbm4b:s6+s2] =	stream.indirect_vreg.scatter [tilespmem:s15], [sflag:$0x3], $0x80, v3, vm0, $0xb8;
	[tilespmem:$0x18080] =	vst v63  }
0x80: {  	_ =	swait.ge [sflag:s14], $0xC000  }
0x81: {  	[sflag:s14] =	ssyncset.done $0x0  }
0x82: {  	[sflag:s14] =	ssyncadd.s32 $0xFFFF4000  }
0x83: {  	v3 =	vld [tilespmem:$0x0];
	_ =	sdelay $0x4  }
0x84: {  	v60 =	vshrl.u32 v3, $0x3  }
0x85: {  	v4 =	vmul.u32 $0x30, v60  }
0x86: {  	v3 =	vand.u32 $0x7, v3  }
0x87: {  	v3 =	vor.u32 v3, v4  }
0x88: {  	v4 =	vperm.xlane v3, v0;
	_ =	sdelay $0x1  }
0x89: {  	v4 =	vadd.s32 v1, v4;
	_ =	sdelay $0x3  }
0x8a: {  	s0 =	rddreg [dreg:$0x1e];
	v3 =	vperm.xlane v3, v2  }
0x8b: {  	[hbm4b:s4+s2] =	stream.indirect_vreg.scatter [tilespmem:s11], [sflag:$0x3], $0x80, v4, vm0, $0xb8;
	[tilespmem:$0x18080] =	vst v63  }
0x8c: {  	s15 =	rddreg [dreg:$0x1f];
	v3 =	vadd.s32 v1, v3  }
0x8d: {  	[hbm4b:s7+s2] =	stream.indirect_vreg.scatter [tilespmem:s0], [sflag:$0x3], $0x80, v4, vm0, $0xb8;
	[tilespmem:$0x18080] =	vst v63  }
0x8e: {  	s0 =	sld [smem:$0x7F9]  }
0x8f: {  	[hbm4b:s8+s2] =	stream.indirect_vreg.scatter [tilespmem:s15], [sflag:$0x3], $0x80, v4, vm0, $0xb8;
	[tilespmem:$0x18080] =	vst v63  }
0x90: {  	s15 =	sld [smem:$0x7FA]  }
0x91: {  	[hbm4b:s4+s2] =	stream.indirect_vreg.scatter [tilespmem:s0], [sflag:$0x3], $0x80, v3, vm0, $0xb8;
	[tilespmem:$0x18080] =	vst v63  }
0x92: {  	s0 =	sld [smem:$0x7FB]  }
0x93: {  	[hbm4b:s7+s2] =	stream.indirect_vreg.scatter [tilespmem:s15], [sflag:$0x3], $0x80, v3, vm0, $0xb8;
	[tilespmem:$0x18080] =	vst v63  }
0x94: {  	_ = 	snop  }
0x95: {  	[hbm4b:s8+s2] =	stream.indirect_vreg.scatter [tilespmem:s0], [sflag:$0x3], $0x80, v3, vm0, $0xb8;
	[tilespmem:$0x18080] =	vst v63  }
0x96: {  	v3 =	vld [tilespmem:$0x10];
	_ =	sdelay $0x4  }
0x97: {  	v61 =	vshrl.u32 v3, $0x3  }
0x98: {  	v4 =	vmul.u32 $0x30, v61  }
0x99: {  	v3 =	vand.u32 $0x7, v3  }
0x9a: {  	v3 =	vor.u32 v3, v4  }
0x9b: {  	v4 =	vperm.xlane v3, v0;
	_ =	sdelay $0x1  }
0x9c: {  	v4 =	vadd.s32 v1, v4;
	_ =	sdelay $0x1  }
0x9d: {  	s0 =	sld [smem:$0x7FC];
	_ =	sdelay $0x1  }
0x9e: {  	s15 =	sld [smem:$0x7FD];
	v3 =	vperm.xlane v3, v2  }
0x9f: {  	[hbm4b:s4+s2] =	stream.indirect_vreg.scatter [tilespmem:s0], [sflag:$0x3], $0x80, v4, vm0, $0xb8;
	[tilespmem:$0x18080] =	vst v63  }
0xa0: {  	v3 =	vadd.s32 v1, v3  }
0xa1: {  	[hbm4b:s7+s2] =	stream.indirect_vreg.scatter [tilespmem:s15], [sflag:$0x3], $0x80, v4, vm0, $0xb8;
	[tilespmem:$0x18080] =	vst v63  }
0xa2: {  	s15 =	simm.s32 $0x10080  }
0xa3: {  	[hbm4b:s8+s2] =	stream.indirect_vreg.scatter [tilespmem:s15], [sflag:$0x3], $0x80, v4, vm0, $0xb8;
	[tilespmem:$0x18080] =	vst v63  }
0xa4: {  	_ = 	snop  }
0xa5: {  	[hbm4b:s4+s2] =	stream.indirect_vreg.scatter [tilespmem:s16], [sflag:$0x3], $0x80, v3, vm0, $0xb8;
	[tilespmem:$0x18080] =	vst v63  }
0xa6: {  	_ = 	snop  }
0xa7: {  	[hbm4b:s7+s2] =	stream.indirect_vreg.scatter [tilespmem:s17], [sflag:$0x3], $0x80, v3, vm0, $0xb8;
	[tilespmem:$0x18080] =	vst v63  }
0xa8: {  	_ = 	snop  }
0xa9: {  	[hbm4b:s8+s2] =	stream.indirect_vreg.scatter [tilespmem:s18], [sflag:$0x3], $0x80, v3, vm0, $0xb8;
	[tilespmem:$0x18080] =	vst v63  }
0xaa: {  	v3 =	vld [tilespmem:$0x20];
	_ =	sdelay $0x4  }
0xab: {  	v62 =	vshrl.u32 v3, $0x3  }
0xac: {  	v4 =	vmul.u32 $0x30, v62  }
0xad: {  	v3 =	vand.u32 $0x7, v3  }
0xae: {  	v3 =	vor.u32 v3, v4  }
0xaf: {  	v4 =	vperm.xlane v3, v0;
	_ =	sdelay $0x1  }
0xb0: {  	v4 =	vadd.s32 v1, v4;
	_ =	sdelay $0x3  }
0xb1: {  	v3 =	vperm.xlane v3, v2  }
0xb2: {  	[hbm4b:s4+s2] =	stream.indirect_vreg.scatter [tilespmem:s19], [sflag:$0x3], $0x80, v4, vm0, $0xb8;
	[tilespmem:$0x18080] =	vst v63  }
0xb3: {  	v3 =	vadd.s32 v1, v3  }
0xb4: {  	[hbm4b:s7+s2] =	stream.indirect_vreg.scatter [tilespmem:s20], [sflag:$0x3], $0x80, v4, vm0, $0xb8;
	[tilespmem:$0x18080] =	vst v63  }
0xb5: {  	_ = 	snop  }
0xb6: {  	[hbm4b:s8+s2] =	stream.indirect_vreg.scatter [tilespmem:s21], [sflag:$0x3], $0x80, v4, vm0, $0xb8;
	[tilespmem:$0x18080] =	vst v63  }
0xb7: {  	_ = 	snop  }
0xb8: {  	[hbm4b:s4+s2] =	stream.indirect_vreg.scatter [tilespmem:s22], [sflag:$0x3], $0x80, v3, vm0, $0xb8;
	[tilespmem:$0x18080] =	vst v63  }
0xb9: {  	_ = 	snop  }
0xba: {  	[hbm4b:s7+s2] =	stream.indirect_vreg.scatter [tilespmem:s23], [sflag:$0x3], $0x80, v3, vm0, $0xb8;
	[tilespmem:$0x18080] =	vst v63  }
0xbb: {  	_ = 	snop  }
0xbc: {  	[hbm4b:s8+s2] =	stream.indirect_vreg.scatter [tilespmem:s24], [sflag:$0x3], $0x80, v3, vm0, $0xb8;
	[tilespmem:$0x18080] =	vst v63  }
0xbd: {  	v3 =	vld [tilespmem:$0x30];
	_ =	sdelay $0x4  }
0xbe: {  	v63 =	vshrl.u32 v3, $0x3  }
0xbf: {  	v4 =	vmul.u32 $0x30, v63  }
0xc0: {  	v3 =	vand.u32 $0x7, v3  }
0xc1: {  	v3 =	vor.u32 v3, v4  }
0xc2: {  	v4 =	vperm.xlane v3, v0;
	_ =	sdelay $0x1  }
0xc3: {  	v4 =	vadd.s32 v1, v4;
	_ =	sdelay $0x3  }
0xc4: {  	v3 =	vperm.xlane v3, v2  }
0xc5: {  	[hbm4b:s4+s2] =	stream.indirect_vreg.scatter [tilespmem:s25], [sflag:$0x3], $0x80, v4, vm0, $0xb8;
	[tilespmem:$0x18080] =	vst v63  }
0xc6: {  	v3 =	vadd.s32 v1, v3  }
0xc7: {  	[hbm4b:s7+s2] =	stream.indirect_vreg.scatter [tilespmem:s26], [sflag:$0x3], $0x80, v4, vm0, $0xb8;
	[tilespmem:$0x18080] =	vst v63  }
0xc8: {  	_ = 	snop  }
0xc9: {  	[hbm4b:s8+s2] =	stream.indirect_vreg.scatter [tilespmem:s28], [sflag:$0x3], $0x80, v4, vm0, $0xb8;
	[tilespmem:$0x18080] =	vst v63  }
0xca: {  	_ = 	snop  }
0xcb: {  	[hbm4b:s4+s2] =	stream.indirect_vreg.scatter [tilespmem:s29], [sflag:$0x3], $0x80, v3, vm0, $0xb8;
	[tilespmem:$0x18080] =	vst v63  }
0xcc: {  	_ = 	snop  }
0xcd: {  	[hbm4b:s7+s2] =	stream.indirect_vreg.scatter [tilespmem:s30], [sflag:$0x3], $0x80, v3, vm0, $0xb8;
	[tilespmem:$0x18080] =	vst v63  }
0xce: {  	_ = 	snop  }
0xcf: {  	[hbm4b:s8+s2] =	stream.indirect_vreg.scatter [tilespmem:s31], [sflag:$0x3], $0x80, v3, vm0, $0xb8;
	[tilespmem:$0x18080] =	vst v63  }
0xd0: {  	p0 =	sne.s32 s9, $0x1;
	_ =	swait.ge [sflag:s1], $0xC000  }
.Ltmp0:
0xd1: {  	[sflag:s1] =	ssyncset.done $0x0;
	(pc) =	sbr.rel @p0 .LBB2_1-.Ltmp0, $4  }
0xd2: {  	[sflag:s1] =	ssyncadd.s32 $0xFFFF4000  }
0xd3: {  	_ =	swait.ge [sflag:s1], $0xC000  }
0xd4: {  	[sflag:s1] =	ssyncset.done $0x0  }
0xd5: {  	s9 =	sadd.s32 $0xFFFFFFFF, s9;
	[sflag:s1] =	ssyncadd.s32 $0xFFFF4000  }
0xd6: {  	_ =	sfence.sel $0x180000  }
0xd7: {  	[bflag:$0x0] =	sbarrier.arrive $0xFFFF  }
0xd8: {  	_ =	strace $0x90000047  }
0xd9: {  	s0 =	stileid.u32;
	[bflag:$0x2] =	sbarrier.arrive $0xFFFF  }
0xda: {  	p0 =	sne.s32 s0, $0x0;
	s0 =	rddreg [dreg:$0x3]  }
0xdb: {  	s0 =	sadd.s32 @!p0 $0x100000, s0  }
0xdc: {  	[sflag:s0] =	ssyncadd.tile.s32 @!p0 $0x1;
	_ =	shalt  }
.Lfunc_end2:
_tile_overlayer_lowered:
.L_overlay_start_2:
0xdd: {  	(tag) =	ssettag $0x2  }
0xde: {  	s0 =	rddreg [dreg:$0x0];
	s2 =	stileid.u32  }
0xdf: {  	s1 =	rddreg [dreg:$0x1];
	p0 =	sne.s32 s2, $0x0  }
0xe0: {  	s3 =	rddreg [dreg:$0x2];
	[bflag:$0x3] =	sbarrier.arrive $0xFFFF;
	s2 =	simm.s32 @!p0 $0x1C04  }
0xe1: {  	[timem:s3], [sflag:s2] =	dma.local @!p0 [hbm:s0], s1  }
0xe2: {  	s0 =	simm.s32 @!p0 $0x4  }
0xe3: {  	_ =	swait.ge @!p0 [sflag:s0], s1  }
0xe4: {  	s1 =	ssub.s32 @!p0 $0x0, s1;
	[sflag:s0] =	ssyncset.done @!p0 $0x0  }
0xe5: {  	[sflag:s0] =	ssyncadd.s32 @!p0 s1  }
0xe6: {  	[bflag:$0x3] =	sbarrier.arrive $0xFFFF  }
0xe7: {  	_ =	shalt  }

</sc_bundles>
